<compile_context>
chip_gen: v7x
topology: tpu7x:2x2x1
jax: 0.10.2.dev20260603
libtpu: 0.0.44.dev20260713+nightly
codegen_flags: <defaults>
</compile_context>

<pallas_src>
import jax
import jax.numpy as jnp
from jax.experimental import pallas as pl


def _transpose_body(x_ref, o_ref):
    eye = jnp.eye(x_ref.shape[0], dtype=x_ref.dtype)
    o_ref[...] = jax.lax.dot_general(
        x_ref[...], eye, (((0,), (0,)), ((), ())),
        preferred_element_type=jnp.float32,
    )


def kernel(input):
    bs, C, H, W = input.shape
    A = 3
    attrs = C // A
    HW = H * W
    x = input.reshape(bs * A, attrs, HW)

    out = pl.pallas_call(
        _transpose_body,
        grid=(bs * A,),
        in_specs=[pl.BlockSpec((None, attrs, HW), lambda i: (i, 0, 0))],
        out_specs=pl.BlockSpec((None, HW, attrs), lambda i: (i, 0, 0)),
        out_shape=jax.ShapeDtypeStruct((bs * A, HW, attrs), x.dtype),
    )(x)
    return out.reshape(bs, A, H, W, attrs)

# --- scband reference (transcript-rebuilt; emitter-appended) ---
"""Pipeline reference for scband-yolo-loss-17042430231323 (READ-ONLY COPY).

The authoritative reference and input builder live on the scoring server;
editing this copy changes nothing except your own understanding.
"""

import jax, jax.numpy as jnp
import numpy as np


def setup_inputs(seed: int = 0) -> dict:
    key = jax.random.key(seed)
    x = jax.random.normal(key, (16, 255, 76, 76), dtype=jnp.float32)
    return {"input": x}


def reference(input):
    # Faithful translation of YoloLoss.forward (the only code actually executed):
    #   bs = input.size(0); in_h = input.size(2); in_w = input.size(3)
    #   scaled_anchors computed (python-side constants, no tensor effect)
    #   prediction = input.view(bs, num_anchors/3, bbox_attrs, in_h, in_w)
    #                    .permute(0, 1, 3, 4, 2).contiguous()
    # The torch forward has no return statement; we return the final computed
    # tensor `prediction` as the observable forward output.
    bs = input.shape[0]
    in_h = input.shape[2]
    in_w = input.shape[3]
    num_anchors = 9
    num_classes = 80
    bbox_attrs = 5 + num_classes  # 85
    img_size = (608, 608)
    stride_h = img_size[1] / in_h
    stride_w = img_size[0] / in_w
    anchors = [(10, 13), (16, 30), (33, 23), (30, 61), (62, 45), (59, 119), (116, 90), (156, 198), (373, 326)]
    scaled_anchors = [(a_w / stride_w, a_h / stride_h) for a_w, a_h in anchors]  # python constants, unused downstream
    prediction = jnp.transpose(
        input.reshape(bs, num_anchors // 3, bbox_attrs, in_h, in_w),
        (0, 1, 3, 4, 2),
    )
    return prediction

if __name__ == "__main__":
    import jax
    _d = setup_inputs()
    print(jax.jit(kernel)(*tuple(_d.values())))

</pallas_src>

<mosaic_0001>
module attributes {stable_mosaic.version = 14 : i64} {
  func.func @_transpose_body(%arg0: i32, %arg1: memref<1x85x5776xf32, #tpu.memory_space<vmem>>, %arg2: memref<1x5776x85xf32, #tpu.memory_space<vmem>>) attributes {dimension_semantics = [#tpu.dimension_semantics<arbitrary>], iteration_bounds = array<i64: 48>, scalar_prefetch = 0 : i64, scratch_operands = 0 : i64, tpu.core_type = #tpu.core_type<tc>, window_params = [{transform_indices = @transform_0, window_bounds = array<i64: 1, 85, 5776>}, {transform_indices = @transform_1, window_bounds = array<i64: 1, 5776, 85>}]} {
    %iota3A = tpu.iota {dimensions = array<i32: 0>} : vector<85x85xi32>
    %iota3A_0 = tpu.iota {dimensions = array<i32: 1>} : vector<85x85xi32>
    %add3A = arith.constant 0 : i32
    %add3A_1 = vector.broadcast %add3A : i32 to vector<85x85xi32>
    %add3A_2 = arith.addi %iota3A, %add3A_1 : vector<85x85xi32>
    %eq3A = arith.cmpi eq, %add3A_2, %iota3A_0 : vector<85x85xi32>
    %convert_element_type3A = arith.extui %eq3A : vector<85x85xi1> to vector<85x85xi32>
    %convert_element_type3A_3 = arith.sitofp %convert_element_type3A : vector<85x85xi32> to vector<85x85xf32>
    %get3A = arith.constant 0 : index
    %get3A_4 = arith.constant 0 : index
    %get3A_5 = arith.constant 0 : index
    %get3A_6 = vector.load %arg1[%get3A, %get3A_4, %get3A_5] : memref<1x85x5776xf32, #tpu.memory_space<vmem>>, vector<1x85x5776xf32>
    %get3A_7 = vector.shape_cast %get3A_6 : vector<1x85x5776xf32> to vector<85x5776xf32>
    %dot_general3A = arith.constant dense<0.000000e+00> : vector<5776x85xf32>
    %dot_general3A_8 = tpu.matmul %get3A_7, %convert_element_type3A_3, %dot_general3A {dimension_numbers = #tpu.dot_dimension_numbers<[0], [0], [1], [1], [0, 1, 1, 1], [], []>, transpose_lhs_hint = false} : vector<85x5776xf32>, vector<85x85xf32>, vector<5776x85xf32> -> vector<5776x85xf32>
    %swap3A = arith.constant 0 : index
    %swap3A_9 = arith.constant 0 : index
    %swap3A_10 = arith.constant 0 : index
    %swap3A_11 = vector.load %arg2[%swap3A, %swap3A_9, %swap3A_10] : memref<1x5776x85xf32, #tpu.memory_space<vmem>>, vector<1x5776x85xf32>
    %swap3A_12 = vector.shape_cast %swap3A_11 : vector<1x5776x85xf32> to vector<5776x85xf32>
    %swap3A_13 = vector.shape_cast %dot_general3A_8 : vector<5776x85xf32> to vector<1x5776x85xf32>
    tpu.vector_store %arg2[%swap3A, %swap3A_9, %swap3A_10], %swap3A_13 {strides = array<i32>} : memref<1x5776x85xf32, #tpu.memory_space<vmem>>, vector<1x5776x85xf32>,
    return
  }
  func.func @transform_0(%arg0: i32) -> (i32, i32, i32) {
    %c0_i32 = arith.constant 0 : i32
    %c0_i32_0 = arith.constant 0 : i32
    %c0_i32_1 = arith.constant 0 : i32
    return %arg0, %c0_i32, %c0_i32_0 : i32, i32, i32
  }
  func.func @transform_1(%arg0: i32) -> (i32, i32, i32) {
    %c0_i32 = arith.constant 0 : i32
    %c0_i32_0 = arith.constant 0 : i32
    %c0_i32_1 = arith.constant 0 : i32
    return %arg0, %c0_i32, %c0_i32_0 : i32, i32, i32
  }
}

</mosaic_0001>

<sc_bundles>
// kernel: sparse-core-data-format-call.cloned.1.call-start
scs
called_computation_lowered:
.L_overlay_start_0:
0x0: {  	s2 =	sld [smem:$0x3FD9]  }
0x1: {  	s3 =	sld [smem:$0x3FFE];
	_ =	sdelay $0x1  }
0x2: {  	s1 =	srdreg.scid  }
0x3: {  	s0 =	sand.u32 $0x1, s1  }
0x4: {  	s18 =	sshll.u32 s0, $0xA;
	s2 =	sadd.s32 s3, s2  }
0x5: {  	s2 =	sadd.s32 s2, s18  }
0x6: {  	[smem:$0x3FC7] =	sst s2  }
0x7: {  	_ = 	snop  }
0x8: {  	s2 =	sld [smem:$0x3FD0];
	(tm) =	ssettm $0x1  }
0x9: {  	s19 =	sld [smem:$0x3FFB];
	_ =	sdelay $0x3  }
0xa: {  	_ =	strace s19  }
0xb: {  	s3 =	sld [smem:$0x3FFC];
	_ =	sdelay $0x3  }
0xc: {  	_ =	strace s3  }
0xd: {  	s3 =	sld [smem:$0x3FFD];
	_ =	sdelay $0x3  }
0xe: {  	_ =	strace s3  }
0xf: {  	_ =	strace $0x8FFFFFFF  }
0x10: {  	s20 =	sld [smem:$0x3FDB];
	_ =	sdelay $0x1  }
0x11: {  	s4 =	simm.s32 $_scs_section_size  }
0x12: {  	s5 =	simm.s32 $_size__tile_overlayer_lowered;
	s6 =	simm.s32 $_tile_overlayer_lowered  }
0x13: {  	s23 =	simm.s32 $0x1BFF;
	s22 =	sshll.u32 s6, $0x1;
	s3 =	sadd.s32 s4, s20  }
0x14: {  	s7 =	simm.s32 $0x0;
	s21 =	sshll.u32 s5, $0x1;
	s5 =	sadd.s32 s22, s3  }
0x15: {  	[timem:s7], [sflag:s23] =	dma.local [hbm:s5], s21  }
0x16: {  	_ =	swait.ge [sflag:s23], s21  }
0x17: {  	s4 =	ssub.s32 $0x0, s21;
	[sflag:s23] =	ssyncset.done $0x0  }
0x18: {  	[sflag:s23] =	ssyncadd.s32 s4;
	_ =	sdelay $0x1  }
0x19: {  	s24 =	simm.s32 $0x1B8B  }
0x1a: {  	_ =	swait.ge [sflag:s24], $0x1  }
0x1b: {  	[sflag:s24] =	ssyncset.done $0x0  }
0x1c: {  	s26 =	simm.s32 $0x1B8E;
	s25 =	sld [smem:$0x3FFE];
	[sflag:s24] =	ssyncadd.s32 $0xFFFFFFFF  }
0x1d: {  	s27 =	simm.s32 $execute0_lowered;
	[smem:$0x3FD2] =	sst s26  }
0x1e: {  	s5 =	sshll.u32 s27, $0x1;
	_ =	strace $0x80000046;
	[dreg:$0x1] =	wrdreg $0xFFFFFFFF  }
0x1f: {  	s28 =	simm.s32 $_size_execute0_lowered;
	s3 =	sadd.s32 s3, s5;
	[dreg:$0x0] =	wrdreg $0x0  }
0x20: {  	s5 =	sshll.u32 s28, $0x1;
	[dreg:$0x2] =	wrdreg s3  }
0x21: {  	[dreg:$0x3] =	wrdreg s5  }
0x22: {  	[dreg:$0x4] =	wrdreg $0xC0  }
0x23: {  	_ =	task [dreg:s7], $0x5FFFF  }
0x24: {  	[dreg:$0x1] =	wrdreg $0xFFFFFFFF  }
0x25: {  	[dreg:$0x0] =	wrdreg $0x60  }
0x26: {  	[dreg:$0x2] =	wrdreg s25  }
0x27: {  	[dreg:$0x3] =	wrdreg s2  }
0x28: {  	[dreg:$0x4] =	wrdreg $0x9  }
0x29: {  	_ =	task.clear_ibuf [dreg:s7], $0x5FFFF;
	_ =	strace $0x90000046  }
0x2a: {  	s29 =	simm.s32 $0x9;
	_ =	strace $0x80000048  }
0x2b: {  	_ =	swait.ge [sflag:s29], $0x1  }
0x2c: {  	[sflag:s29] =	ssyncadd.s32 $0xFFFFFFFF  }
0x2d: {  	_ =	strace $0x90000048  }
0x2e: {  	_ =	sfence  }
0x2f: {  	s30 =	sld [smem:$0x0];
	_ =	sdelay $0x2  }
0x30: {  	s31 =	sshll.u32 s1, $0xD;
	s1 =	sshrl.u32 s1, $0x2  }
0x31: {  	s3 =	sand.u32 $0x4000, s31;
	s1 =	sadd.s32 s1, s30  }
0x32: {  	s0 =	sor.u32 s3, s0;
	s1 =	sshll.u32 s1, $0x11  }
0x33: {  	s0 =	sor.u32 s1, s0  }
0x34: {  	s0 =	sadd.s32 $0x8F2B, s0  }
0x35: {  	[sflag:s0] =	ssyncadd.remote.s32 $0x1  }
0x36: {  	_ =	sfence.sel $0xFFFF  }
0x37: {  	[dreg:$0x0] =	wrdreg $0xFFFFFFFF;
	(pc) =	sbr.abs _section_cstart, $3  }
0x38: {  	[dreg:$0x1] =	wrdreg $0xFFFFFFFF  }
0x39: {  	_ =	task.clear_ibuf [dreg:s7], $0x2FFFF;
	_ =	strace $0x9FFFFFFF  }
0x3a: {  	(tm) =	ssettm $0x7FFFFFFF  }
0x3b: {  	_ =	shalt  }
tec
execute0_lowered:
.L_overlay_start_1:
0x0: {  	(tag) =	ssettag $0x1  }
0x1: {  	s0 =	stileid.u32;
	s1 =	srdreg.scid  }
0x2: {  	s7 =	rddreg [dreg:$0x0];
	s8 =	simm.s32 $0x2;
	s21 =	simm.s32 $0x0  }
0x3: {  	s9 =	simm.s32 $0x400;
	s10 =	simm.s32 $0x800;
	s11 =	simm.s32 $0x0  }
0x4: {  	s23 =	simm.s32 $0x0;
	s1 =	sshll.u32 s1, $0x4;
	s2 =	sshll.u32 s0, $0x3  }
0x5: {  	s24 =	simm.s32 $0x0;
	s3 =	sand.u32 $0x10, s1;
	s1 =	sand.u32 $0x8, s2  }
0x6: {  	s22 =	simm.s32 $0x0;
	s30 =	sor.u32 s0, s3;
	s4 =	ssub.s32 $0x10, s1  }
0x7: {  	s12 =	simm.s32 $0x0;
	s3 =	sshrl.u32 s30, $0x1;
	s31 =	sshrl.u32 s4, $0x3  }
0x8: {  	s5 =	sshrl.u32 s4, $0x4;
	s2 =	sand.u32 $0x1, s31;
	s6 =	ssub.s32 $0x5B, s3  }
0x9: {  	s13 =	simm.s32 $0x0;
	s5 =	sadd.s32 s5, s2;
	s6 =	sshrl.u32 s6, $0x4  }
0xa: {  	s14 =	simm.s32 $0x0;
	s15 =	simm.s32 $0x0;
	s6 =	smul.u32 s6, s5  }
.Ltmp0:
0xb: {  	s16 =	simm.s32 $0x0;
	s4 =	rddreg [dreg:$0x1];
	(pc) =	sbr.rel .LBB1_1-.Ltmp0, $4  }
0xc: {  	s18 =	simm.s32 $0x0;
	s20 =	simm.s32 $0x0;
	s2 =	rddreg [dreg:$0x2]  }
0xd: {  	_ =	strace $0x80000047;
	s5 =	simm.s32 $0x1;
	s6 =	smul.u32 $0xF, s6  }
0xe: {  	s7 =	sadd.s32 $0x400, s7;
	s19 =	smov.u32 s1;
	[sflag:s5] =	ssyncpa.u1 $0x0  }
0xf: {  	s17 =	smov.u32 s3;
	[sflag:s8] =	ssyncpa.u1 $0x0;
	s8 =	sadd.s32 $0x1, s6  }
.LBB1_7:
0x10: {  	p0 =	slt.u32 s20, $0x2  }
0x11: {  	p1 =	sgt.s32 @!p0 s24, $0x2;
	s26 =	sshra.s32 @!p0 s24, $0x1F  }
0x12: {  	s25 =	smov.u32 s24;
	p1 =	por !p1, p0;
	s24 =	sand.u32 @!p0 s26, s24  }
0x13: {  	s26 =	sshra.s32 @!p0 s23, $0x1F;
	s25 =	simm.s32 @p1 $0x2;
	p1 =	sgt.s32 @!p0 s23, $0x4B  }
0x14: {  	s24 =	ssub.s32 @!p0 s25, s24;
	p1 =	por !p1, p0;
	s25 =	smov.u32 s23  }
0x15: {  	s23 =	sand.u32 @!p0 s26, s23;
	s26 =	sadd.s32 @!p0 $0xFFFFFFFE, s24;
	s25 =	simm.s32 @p1 $0x4B  }
0x16: {  	p2 =	sgt.s32 @!p0 s22, $0x8;
	p1 =	sgt.s32 @!p0 s26, $0x0;
	s23 =	ssub.s32 @!p0 s25, s23  }
0x17: {  	s24 =	ssub.s32 @!p0 $0x3, s24;
	p1 =	por !p1, p0;
	s25 =	sadd.s32 @!p0 $0xFFFFFFB5, s23  }
0x18: {  	s26 =	sshra.s32 @!p0 s22, $0x1F;
	s24 =	simm.s32 @!p1 $0x0;
	p1 =	sgt.s32 @!p0 s25, $0x0  }
0x19: {  	s23 =	ssub.s32 @!p0 $0x4C, s23;
	s25 =	smov.u32 s22;
	p1 =	por !p1, p0  }
0x1a: {  	s22 =	sand.u32 @!p0 s26, s22;
	s23 =	simm.s32 @!p1 $0x0;
	p1 =	por !p2, p0  }
0x1b: {  	s26 =	smov.u32 s21;
	p2 =	sgt.s32 @!p0 s21, $0x3C;
	s25 =	simm.s32 @p1 $0x8  }
0x1c: {  	p1 =	por !p2, p0;
	s22 =	ssub.s32 @!p0 s25, s22;
	s25 =	sshra.s32 @!p0 s21, $0x1F  }
0x1d: {  	s28 =	smov.u32 s19;
	s26 =	simm.s32 @p1 $0x3C;
	s21 =	sand.u32 @!p0 s25, s21  }
0x1e: {  	s11 =	sadd.s32 $0x4000, s11;
	s22 =	sadd.s32 @!p0 $0xFFFFFFF8, s22;
	s21 =	ssub.s32 @!p0 s26, s21  }
0x1f: {  	p1 =	sgt.s32 @!p0 s22, $0x7;
	s22 =	sshll.u32 @!p0 s22, $0x7;
	s26 =	smov.u32 s17  }
0x20: {  	s25 =	sadd.s32 @!p0 $0xFFFFFFC4, s21;
	s22 =	ssub.s32 @!p0 $0x400, s22;
	p1 =	por !p1, p0  }
0x21: {  	p2 =	sgt.s32 @!p0 s25, $0xF;
	s22 =	simm.s32 @!p1 $0x0;
	s25 =	sadd.s32 $0x10, s16  }
0x22: {  	s22 =	smul.u32 @!p0 s24, s22;
	p1 =	sgt.s32 s25, $0x4B;
	s24 =	sadd.s32 $0x10, s17  }
0x23: {  	s21 =	ssub.s32 @!p0 $0x4C, s21;
	p2 =	por !p2, p0;
	s26 =	smov.u32 @p1 s24  }
0x24: {  	s22 =	smul.u32 @!p0 s23, s22;
	p3 =	sgt.s32 s26, $0x4B;
	s23 =	simm.s32 $0x1  }
0x25: {  	s29 =	simm.s32 @!p0 $0x2;
	s21 =	simm.s32 @!p2 $0x0;
	s23 =	simm.s32 @!p3 $0x0  }
0x26: {  	s25 =	simm.s32 @p1 $0x0;
	s24 =	smov.u32 s14;
	s27 =	sadd.s32 s23, s18  }
0x27: {  	s21 =	smul.u32 @!p0 s21, s22;
	s22 =	sadd.s32 $0x10, s19;
	p1 =	sgt.s32 s27, $0x2  }
0x28: {  	s14 =	smov.u32 s18;
	s26 =	smov.u32 @p3 s3;
	s28 =	smov.u32 @p1 s22  }
0x29: {  	s23 =	smov.u32 s13;
	s27 =	simm.s32 @p1 $0x0;
	p1 =	sgt.s32 s28, $0xF  }
0x2a: {  	s13 =	smov.u32 s17;
	s28 =	smov.u32 @p1 s1;
	p1 =	sne.s32 s20, s8  }
.Ltmp1:
0x2b: {  	s17 =	smov.u32 s26;
	s21 =	sand.u32 @!p0 $0x3FFFFF80, s21;
	(pc) =	sbr.rel @!p1 .LBB1_8-.Ltmp1, $4  }
0x2c: {  	s22 =	smov.u32 s15;
	s15 =	smov.u32 s19;
	_ =	swait.ge @!p0 [sflag:s29], s21  }
0x2d: {  	s30 =	ssub.s32 @!p0 $0x0, s21;
	s21 =	smov.u32 s12;
	s12 =	smov.u32 s16  }
0x2e: {  	s16 =	smov.u32 s25;
	s18 =	smov.u32 s27;
	[sflag:s29] =	ssyncset.done @!p0 $0x0  }
0x2f: {  	s20 =	sadd.s32 $0x1, s20;
	[sflag:s29] =	ssyncadd.s32 @!p0 s30;
	s19 =	smov.u32 s28  }
.LBB1_1:
0x30: {  	p0 =	sge.u32 s20, s6  }
0x31: {  	s25 =	sand.u32 @!p0 $0x1FFFFFF, s16;
	s27 =	smul.u32 @!p0 $0x47400, s19  }
0x32: {  	s26 =	smulhi.u32 @!p0 $0x3333334, s25  }
0x33: {  	s28 =	smul.u32 @!p0 $0x17C00, s18  }
0x34: {  	s31 =	sadd.s32 $0xFFFFFFFF, s20;
	s26 =	smul.u32 @!p0 $0x50, s26  }
0x35: {  	s29 =	sxor.u32 @!p0 $0xFFFFFFFF, s20;
	s30 =	smul.u32 @!p0 $0x500, s17;
	s27 =	sadd.s32 @!p0 s7, s27  }
0x36: {  	s27 =	sadd.s32 @!p0 s28, s27;
	s28 =	simm.s32 @!p0 $0x23A000;
	s25 =	ssub.s32 @!p0 s25, s26  }
0x37: {  	s27 =	sadd.s32 @!p0 s30, s27;
	s26 =	sshll.u32 @!p0 s29, $0xE;
	s25 =	sshll.u32 @!p0 s25, $0x4  }
0x38: {  	s26 =	sand.u32 @!p0 $0x4000, s26;
	s25 =	sadd.s32 @!p0 s25, s27;
	s27 =	simm.s32 @!p0 $0x800  }
0x39: {  	[tilespmem:s26], [sflag:$0x1] =	stream.strided.gather @!p0 [hbm4b:s25+s27], $0x4000, s28, s27, $0x38;
	[tilespmem:$0x10000] =	vst v63  }
0x3a: {  	p0 =	sge.u32 s31, s6  }
.Ltmp2:
0x3b: {  	_ = 	snop;
	(pc) =	sbr.rel @p0 .LBB1_7-.Ltmp2, $1  }
0x3c: {  	_ =	sdelay $0x3  }
0x3d: {  	s25 =	sand.u32 $0x4000, s11  }
0x3e: {  	_ =	swait.ge [sflag:s5], $0x4000;
	s28 =	sshll.u32 s20, $0xE;
	s26 =	sor.u32 $0x8040, s25  }
0x3f: {  	s27 =	sor.u32 $0x40, s25;
	[sflag:s5] =	ssyncset.done $0x0;
	s31 =	sand.u32 $0x4000, s28  }
0x40: {  	s28 =	simm.s32 $0x0;
	[sflag:s5] =	ssyncadd.s32 $0xFFFFC000;
	s25 =	sor.u32 $0x8000, s31  }
.LBB1_3:
0x41: {  	v0 =	vmov s27;
	_ =	sdelay $0x3  }
0x42: {  	s30 =	simm.s32 $0x0  }
0x43: {  	v6 =	vld.idx.msk [tilespmem:v0+s30+$0x30 ss:$0x1], $0xffff  }
0x44: {  	v7 =	vld.idx.msk [tilespmem:v0+s30+$0xFFFFFFC0 ss:$0x1], $0xffff  }
0x45: {  	v5 =	vld.idx.msk [tilespmem:v0+s30+$0xFFFFFFD0 ss:$0x1], $0xffff  }
0x46: {  	v4 =	vld.idx.msk [tilespmem:v0+s30+$0xFFFFFFE0 ss:$0x1], $0xffff  }
0x47: {  	v3 =	vld.idx.msk [tilespmem:v0+s30+$0xFFFFFFF0 ss:$0x1], $0xffff  }
0x48: {  	v1 =	vld.idx.msk [tilespmem:v0+s30+$0x0 ss:$0x1], $0xffff  }
0x49: {  	v2 =	vld.idx.msk [tilespmem:v0+s30+$0x10 ss:$0x1], $0xffff;
	[tilespmem:s26+$0x30] =	vst v6  }
0x4a: {  	s29 =	simm.s32 $0x80;
	s31 =	simm.s32 $0x400;
	[tilespmem:s26+$0xFFFFFFC0] =	vst v7;
	v6 =	vld.idx.msk [tilespmem:v0+s30+$0x20 ss:$0x1], $0xffff;
	s30 =	smov.u32 s26  }
.LBB1_4:
0x4b: {  	p0 =	sne.s32 s31, $0x1E00;
	v7 =	vld.idx.msk [tilespmem:v0+s29+$0x30 ss:$0x1], $0xffff;
	[tilespmem:s30+$0xFFFFFFD0] =	vst v5  }
0x4c: {  	v8 =	vld.idx.msk [tilespmem:v0+s29+$0xFFFFFFC0 ss:$0x1], $0xffff;
	[tilespmem:s30+$0xFFFFFFE0] =	vst v4  }
0x4d: {  	v5 =	vld.idx.msk [tilespmem:v0+s29+$0xFFFFFFD0 ss:$0x1], $0xffff;
	[tilespmem:s30+$0xFFFFFFF0] =	vst v3  }
.Ltmp3:
0x4e: {  	v4 =	vld.idx.msk [tilespmem:v0+s29+$0xFFFFFFE0 ss:$0x1], $0xffff;
	[tilespmem:s30+$0x0] =	vst v1;
	(pc) =	sbr.rel @p0 .LBB1_4-.Ltmp3, $4  }
0x4f: {  	v3 =	vld.idx.msk [tilespmem:v0+s29+$0xFFFFFFF0 ss:$0x1], $0xffff;
	[tilespmem:s30+$0x10] =	vst v2  }
0x50: {  	v1 =	vld.idx.msk [tilespmem:v0+s29+$0x0 ss:$0x1], $0xffff;
	[tilespmem:s30+$0x20] =	vst v6;
	s30 =	sadd.s32 $0x400, s30  }
0x51: {  	v2 =	vld.idx.msk [tilespmem:v0+s29+$0x10 ss:$0x1], $0xffff;
	[tilespmem:s30+$0x30] =	vst v7  }
0x52: {  	[tilespmem:s30+$0xFFFFFFC0] =	vst v8;
	v6 =	vld.idx.msk [tilespmem:v0+s29+$0x20 ss:$0x1], $0xffff;
	s29 =	sshra.s32 s31, $0x2;
	s31 =	sadd.s32 $0x200, s31  }
0x53: {  	_ =	sdelay $0x2  }
0x54: {  	[tilespmem:s30+$0xFFFFFFD0] =	vst v5  }
0x55: {  	v56 =	vld.idx.msk [tilespmem:v0+s29+$0x30 ss:$0x1], $0xffff;
	[tilespmem:s30+$0xFFFFFFE0] =	vst v4  }
0x56: {  	v57 =	vld.idx.msk [tilespmem:v0+s29+$0xFFFFFFC0 ss:$0x1], $0xffff;
	[tilespmem:s30+$0xFFFFFFF0] =	vst v3  }
0x57: {  	v58 =	vld.idx.msk [tilespmem:v0+s29+$0xFFFFFFD0 ss:$0x1], $0xffff;
	[tilespmem:s30+$0x0] =	vst v1  }
0x58: {  	v59 =	vld.idx.msk [tilespmem:v0+s29+$0xFFFFFFE0 ss:$0x1], $0xffff;
	[tilespmem:s30+$0x10] =	vst v2  }
0x59: {  	v60 =	vld.idx.msk [tilespmem:v0+s29+$0xFFFFFFF0 ss:$0x1], $0xffff;
	s31 =	sadd.s32 $0x400, s30;
	[tilespmem:s30+$0x20] =	vst v6  }
0x5a: {  	v61 =	vld.idx.msk [tilespmem:v0+s29+$0x0 ss:$0x1], $0xffff;
	[tilespmem:s31+$0x30] =	vst v56  }
0x5b: {  	v62 =	vld.idx.msk [tilespmem:v0+s29+$0x10 ss:$0x1], $0xffff;
	s28 =	sadd.s32 $0x1, s28;
	[tilespmem:s31+$0xFFFFFFC0] =	vst v57  }
0x5c: {  	v63 =	vld.idx.msk [tilespmem:v0+s29+$0x20 ss:$0x1], $0xffff;
	p0 =	sne.s32 s28, $0x8;
	[tilespmem:s31+$0xFFFFFFD0] =	vst v58  }
.Ltmp4:
0x5d: {  	[tilespmem:s31+$0xFFFFFFE0] =	vst v59;
	(pc) =	sbr.rel @p0 .LBB1_3-.Ltmp4, $4  }
0x5e: {  	[tilespmem:s31+$0xFFFFFFF0] =	vst v60  }
0x5f: {  	[tilespmem:s31+$0x0] =	vst v61  }
0x60: {  	[tilespmem:s31+$0x10] =	vst v62  }
0x61: {  	s26 =	sadd.s32 $0x80, s26;
	s27 =	sadd.s32 $0x800, s27;
	[tilespmem:s31+$0x20] =	vst v63  }
0x62: {  	p0 =	sgt.s32 s14, $0x2;
	s26 =	smov.u32 s14;
	s27 =	sshra.s32 s14, $0x1F  }
0x63: {  	s26 =	simm.s32 @!p0 $0x2;
	s27 =	sand.u32 s27, s14  }
0x64: {  	p1 =	sgt.s32 s13, $0x4B;
	s28 =	sshra.s32 s13, $0x1F;
	s26 =	ssub.s32 s26, s27  }
0x65: {  	s29 =	smov.u32 s15;
	s30 =	sshra.s32 s15, $0x1F;
	s27 =	sadd.s32 $0xFFFFFFFE, s26  }
0x66: {  	s28 =	sand.u32 s28, s13;
	p0 =	sgt.s32 s27, $0x0;
	s27 =	smov.u32 s13  }
0x67: {  	s26 =	ssub.s32 $0x3, s26;
	s27 =	simm.s32 @!p1 $0x4B;
	p1 =	sgt.s32 s15, $0x8  }
0x68: {  	s27 =	ssub.s32 s27, s28;
	s29 =	simm.s32 @!p1 $0x8;
	s28 =	sand.u32 s30, s15  }
0x69: {  	s26 =	simm.s32 @p0 $0x0;
	s28 =	ssub.s32 s29, s28  }
0x6a: {  	p1 =	sgt.s32 s12, $0x3C;
	s31 =	sadd.s32 $0xFFFFFFB5, s27;
	s28 =	sadd.s32 $0xFFFFFFF8, s28  }
0x6b: {  	s29 =	smov.u32 s12;
	p2 =	sgt.s32 s28, $0x7;
	s28 =	sshll.u32 s28, $0x7  }
0x6c: {  	p0 =	sgt.s32 s31, $0x0;
	s31 =	sshra.s32 s12, $0x1F;
	s28 =	ssub.s32 $0x400, s28  }
0x6d: {  	s29 =	simm.s32 @!p1 $0x3C;
	s30 =	sand.u32 s31, s12;
	s28 =	simm.s32 @p2 $0x0  }
0x6e: {  	s27 =	ssub.s32 $0x4C, s27;
	s29 =	ssub.s32 s29, s30;
	s26 =	smul.u32 s26, s28  }
0x6f: {  	s30 =	sadd.s32 $0xFFFFFFC4, s29;
	s28 =	ssub.s32 $0x4C, s29;
	s29 =	smul.u32 $0x169000, s14  }
0x70: {  	s27 =	simm.s32 @p0 $0x0;
	p0 =	sgt.s32 s30, $0xF;
	s30 =	smul.u32 $0x4C00, s13  }
0x71: {  	s31 =	sshll.u32 s15, $0x4;
	s28 =	simm.s32 @p0 $0x0;
	s26 =	smul.u32 s27, s26  }
.Ltmp5:
0x72: {  	s27 =	sand.u32 $0xF0, s31;
	s29 =	sadd.s32 s4, s29;
	(pc) =	sbr.rel .LBB1_7-.Ltmp5, $4  }
0x73: {  	s27 =	sadd.s32 s27, s29;
	s26 =	smul.u32 s28, s26  }
0x74: {  	s31 =	sshll.u32 s12, $0x8;
	s27 =	sadd.s32 s30, s27  }
0x75: {  	s27 =	sadd.s32 s31, s27;
	s26 =	sand.u32 $0x3FFFFF80, s26  }
0x76: {  	[hbm4b:s27+s9] =	stream.strided.scatter [tilespmem:s25], [sflag:$0x2], s26, s10, s9, $0x38;
	[tilespmem:$0x10000] =	vst v63  }
.LBB1_8:
0x77: {  	_ =	sfence.sel $0x180000  }
0x78: {  	s1 =	simm.s32 $0x1;
	[bflag:$0x0] =	sbarrier.arrive $0xFFFF  }
0x79: {  	s31 =	simm.s32 $0x2;
	[sflag:s1] =	ssyncpa.u1 $0x1  }
0x7a: {  	[sflag:s31] =	ssyncpa.u1 $0x1  }
0x7b: {  	p0 =	sne.s32 s0, $0x0;
	_ =	strace $0x90000047  }
0x7c: {  	s0 =	sadd.s32 @!p0 $0x100000, s2;
	[bflag:$0x2] =	sbarrier.arrive $0xFFFF  }
0x7d: {  	[sflag:s0] =	ssyncadd.tile.s32 @!p0 $0x1;
	_ =	shalt  }
.Lfunc_end1:
_tile_overlayer_lowered:
.L_overlay_start_2:
0x7e: {  	(tag) =	ssettag $0x2  }
0x7f: {  	s0 =	rddreg [dreg:$0x0];
	s2 =	stileid.u32  }
0x80: {  	s1 =	rddreg [dreg:$0x1];
	p0 =	sne.s32 s2, $0x0  }
0x81: {  	s3 =	rddreg [dreg:$0x2];
	[bflag:$0x3] =	sbarrier.arrive $0xFFFF;
	s2 =	simm.s32 @!p0 $0x1C01  }
0x82: {  	[timem:s3], [sflag:s2] =	dma.local @!p0 [hbm:s0], s1  }
0x83: {  	s0 =	simm.s32 @!p0 $0x1  }
0x84: {  	_ =	swait.ge @!p0 [sflag:s0], s1  }
0x85: {  	s1 =	ssub.s32 @!p0 $0x0, s1;
	[sflag:s0] =	ssyncset.done @!p0 $0x0  }
0x86: {  	[sflag:s0] =	ssyncadd.s32 @!p0 s1  }
0x87: {  	[bflag:$0x3] =	sbarrier.arrive $0xFFFF  }
0x88: {  	_ =	shalt  }

</sc_bundles>
